<compile_context>
chip_gen: v7x
topology: tpu7x:2x2x1
jax: 0.10.2.dev20260603
libtpu: 0.0.44.dev20260713+nightly
codegen_flags: <defaults>
</compile_context>

<pallas_src>
import functools

import jax
import jax.numpy as jnp
from jax import lax
from jax.experimental import pallas as pl
from jax.experimental.pallas import tpu as pltpu
from jax.experimental.pallas import tpu_sc as plsc

_NC = 2
_NS = 16
_NW = _NC * _NS
_L = 16

_CHUNK = 8192


def _loss_partials_kernel(n_total: int):
    per_w = n_total // _NW
    n_chunks = per_w // _CHUNK
    mesh = plsc.VectorSubcoreMesh(core_axis_name="c", subcore_axis_name="s")

    @functools.partial(
        pl.kernel,
        out_type=jax.ShapeDtypeStruct((_NW, 2 * _L), jnp.float32),
        mesh=mesh,
        scratch_types=[
            pltpu.VMEM((2 * _CHUNK,), jnp.float32),
            pltpu.VMEM((_CHUNK,), jnp.float32),
            pltpu.VMEM((_CHUNK,), jnp.float32),
            pltpu.VMEM((2 * _L,), jnp.float32),
            pltpu.SemaphoreType.DMA,
        ],
        compiler_params=pltpu.CompilerParams(needs_layout_passes=False),
    )
    def body(in_hbm, t_hbm, m_hbm, out_hbm, inbuf, tbuf, mbuf, accbuf, sem):
        wid = lax.axis_index("s") * _NC + lax.axis_index("c")
        base = wid * per_w
        iota = lax.iota(jnp.int32, 16)
        iota2 = iota * 2
        zero = jnp.zeros((_L,), jnp.float32)

        def chunk_body(c, carry):
            acc, cnt = carry
            el0 = base + c * _CHUNK
            pltpu.async_copy(in_hbm.at[pl.ds(2 * el0, 2 * _CHUNK)], inbuf, sem)
            pltpu.async_copy(t_hbm.at[pl.ds(el0, _CHUNK)], tbuf, sem)
            cp = pltpu.async_copy(m_hbm.at[pl.ds(el0, _CHUNK)], mbuf, sem)
            cp.wait()
            pltpu.make_async_copy(t_hbm.at[pl.ds(el0, _CHUNK)], tbuf, sem).wait()
            pltpu.make_async_copy(
                in_hbm.at[pl.ds(2 * el0, 2 * _CHUNK)], inbuf, sem).wait()

            def vec_body(j, carry2):
                acc2, cnt2 = carry2
                ix = iota2 + j * 32
                x0 = plsc.load_gather(inbuf, [ix])
                x1 = plsc.load_gather(inbuf, [ix + 1])
                t = tbuf[pl.ds(j * 16, 16)]
                m = mbuf[pl.ds(j * 16, 16)]
                d = x1 - x0
                e = jnp.exp(-jnp.abs(d))
                s = e / (e + 2.0)
                s2 = s * s
                p = 1.0 / 9.0
                p = p * s2 + 1.0 / 7.0
                p = p * s2 + 1.0 / 5.0
                p = p * s2 + 1.0 / 3.0
                p = p * s2 + 1.0
                l1p = (2.0 * s) * p
                contrib = jnp.maximum(d, zero) + l1p - t * d
                return acc2 + m * contrib, cnt2 + m

            return lax.fori_loop(0, _CHUNK // 16, vec_body, (acc, cnt))

        acc, cnt = lax.fori_loop(0, n_chunks, chunk_body, (zero, zero))
        accbuf[pl.ds(0, _L)] = acc
        accbuf[pl.ds(_L, _L)] = cnt
        pltpu.sync_copy(accbuf, out_hbm.at[wid])

    return body


def kernel(inputs, target, mask):
    n = target.shape[0]
    flat = inputs.reshape((2 * n,))
    m32 = mask.astype(jnp.float32)
    parts = _loss_partials_kernel(n)(flat, target, m32)
    num = parts[:, :_L].sum()
    cnt = parts[:, _L:].sum()
    return num / cnt

# --- scband reference (transcript-rebuilt; emitter-appended) ---
"""Pipeline reference for scband-custom-loss-58737972740789 (READ-ONLY COPY).

The authoritative reference and input builder live on the scoring server;
editing this copy changes nothing except your own understanding.
"""

import jax, jax.numpy as jnp
import numpy as np

N = 2097152

def setup_inputs(seed: int = 0) -> dict:
    key = jax.random.key(seed)
    k1, k2, k3 = jax.random.split(key, 3)
    inputs = jax.random.normal(k1, (N, 2), dtype=jnp.float32)
    target = jax.random.uniform(k2, (N,), dtype=jnp.float32)
    mask = jax.random.randint(k3, (N,), 0, 2).astype(jnp.bool_)
    return {"inputs": inputs, "target": target, "mask": mask}

def reference(inputs, target, mask):
    # torch.masked_select + view(-1,2) followed by a masked BCE-style reduction.
    # Equivalent static-shape formulation: compute the per-element term everywhere,
    # zero out unmasked positions, and divide by mask.sum() -- identical math since
    # unmasked terms contribute exactly 0 to the numerator.
    m = mask.astype(jnp.float32)
    p = jax.nn.sigmoid(inputs[:, 1] - inputs[:, 0])
    term = target * jnp.log(p) + (1.0 - target) * jnp.log(1.0 - p)
    loss = -(term * m).sum() / m.sum()
    return loss

if __name__ == "__main__":
    import jax
    _d = setup_inputs()
    print(jax.jit(kernel)(*tuple(_d.values())))

</pallas_src>

<mosaic_0001>
#map = affine_map<(d0, d1) -> (0)>
#map1 = affine_map<(d0, d1) -> (0, 0)>
module attributes {stable_mosaic.version = 14 : i64} {
  func.func @body(%arg0: i32, %arg1: i32, %arg2: memref<4194304xf32, #tpu.memory_space<hbm>>, %arg3: memref<2097152xf32, #tpu.memory_space<hbm>>, %arg4: memref<2097152xf32, #tpu.memory_space<hbm>>, %arg5: memref<32x32xf32, #tpu.memory_space<hbm>>, %arg6: memref<16384xf32, #tpu.memory_space<vmem>>, %arg7: memref<8192xf32, #tpu.memory_space<vmem>>, %arg8: memref<8192xf32, #tpu.memory_space<vmem>>, %arg9: memref<32xf32, #tpu.memory_space<vmem>>, %arg10: memref<!tpu.dma_semaphore, #tpu.memory_space<semaphore_mem>>) attributes {dimension_semantics = [#tpu.dimension_semantics<core_parallel>, #tpu.dimension_semantics<subcore_parallel>], iteration_bounds = array<i64: 2, 16>, scalar_prefetch = 0 : i64, scratch_operands = 5 : i64, tpu.core_type = #tpu.core_type<sc_vector_subcore>, window_params = [{transform_indices = #map}, {transform_indices = #map}, {transform_indices = #map}, {transform_indices = #map1}]} {
    %mul3A = arith.constant 2 : i32
    %mul3A_0 = arith.muli %arg1, %mul3A : i32
    %add3A = arith.addi %mul3A_0, %arg0 : i32
    %mul3A_1 = arith.constant 65536 : i32
    %mul3A_2 = arith.muli %add3A, %mul3A_1 : i32
    %iota3A = tpu.iota {dimensions = array<i32: 0>} : vector<16xi32>
    %mul3A_3 = arith.constant 2 : i32
    %mul3A_4 = vector.broadcast %mul3A_3 : i32 to vector<16xi32>
    %mul3A_5 = arith.muli %iota3A, %mul3A_4 : vector<16xi32>
    %broadcast_in_dim3A = arith.constant 0.000000e+00 : f32
    %broadcast_in_dim3A_6 = vector.broadcast %broadcast_in_dim3A : f32 to vector<16xf32>
    %scan3A = arith.constant 0 : i32
    %scan3A_7 = arith.constant 8 : i32
    %scan3A_8 = arith.addi %scan3A, %scan3A_7 : i32
    %scan3A_9 = arith.constant 1 : i32
    %scan3A_10:2 = scf.for %scan3A_15 = %scan3A to %scan3A_8 step %scan3A_9 iter_args(%scan3A_16 = %broadcast_in_dim3A_6, %scan3A_17 = %broadcast_in_dim3A_6) -> (vector<16xf32>, vector<16xf32>)  : i32 {
      %mul3A_18 = arith.constant 8192 : i32
      %mul3A_19 = arith.muli %scan3A_15, %mul3A_18 : i32
      %add3A_20 = arith.addi %mul3A_2, %mul3A_19 : i32
      %mul3A_21 = arith.constant 2 : i32
      %mul3A_22 = arith.muli %mul3A_21, %add3A_20 : i32
      %dma_start3A = tpu.memref_slice %arg2[%mul3A_22] : memref<4194304xf32, #tpu.memory_space<hbm>> -> memref<16384xf32, #tpu.memory_space<hbm>>
      %dma_start3A_23 = tpu.memref_slice %arg2[%mul3A_22] : memref<4194304xf32, #tpu.memory_space<hbm>> -> memref<16384xf32, #tpu.memory_space<hbm>>
      tpu.enqueue_dma source(%dma_start3A_23 : memref<16384xf32, #tpu.memory_space<hbm>>) target(%arg6 : memref<16384xf32, #tpu.memory_space<vmem>>) target_semaphore(%arg10 : memref<!tpu.dma_semaphore, #tpu.memory_space<semaphore_mem>>)
      %dma_start3A_24 = tpu.memref_slice %arg3[%add3A_20] : memref<2097152xf32, #tpu.memory_space<hbm>> -> memref<8192xf32, #tpu.memory_space<hbm>>
      %dma_start3A_25 = tpu.memref_slice %arg3[%add3A_20] : memref<2097152xf32, #tpu.memory_space<hbm>> -> memref<8192xf32, #tpu.memory_space<hbm>>
      tpu.enqueue_dma source(%dma_start3A_25 : memref<8192xf32, #tpu.memory_space<hbm>>) target(%arg7 : memref<8192xf32, #tpu.memory_space<vmem>>) target_semaphore(%arg10 : memref<!tpu.dma_semaphore, #tpu.memory_space<semaphore_mem>>)
      %dma_start3A_26 = tpu.memref_slice %arg4[%add3A_20] : memref<2097152xf32, #tpu.memory_space<hbm>> -> memref<8192xf32, #tpu.memory_space<hbm>>
      %dma_start3A_27 = tpu.memref_slice %arg4[%add3A_20] : memref<2097152xf32, #tpu.memory_space<hbm>> -> memref<8192xf32, #tpu.memory_space<hbm>>
      tpu.enqueue_dma source(%dma_start3A_27 : memref<8192xf32, #tpu.memory_space<hbm>>) target(%arg8 : memref<8192xf32, #tpu.memory_space<vmem>>) target_semaphore(%arg10 : memref<!tpu.dma_semaphore, #tpu.memory_space<semaphore_mem>>)
      %dma_wait3A = tpu.memref_slice %arg4[%add3A_20] : memref<2097152xf32, #tpu.memory_space<hbm>> -> memref<8192xf32, #tpu.memory_space<hbm>>
      %dma_wait3A_28 = tpu.memref_slice %arg4[%add3A_20] : memref<2097152xf32, #tpu.memory_space<hbm>> -> memref<8192xf32, #tpu.memory_space<hbm>>
      tpu.wait_dma2 semaphore(%arg10 : memref<!tpu.dma_semaphore, #tpu.memory_space<semaphore_mem>>) src(%dma_wait3A_28 : memref<8192xf32, #tpu.memory_space<hbm>>) dst(%arg8 : memref<8192xf32, #tpu.memory_space<vmem>>)
      %dma_wait3A_29 = tpu.memref_slice %arg3[%add3A_20] : memref<2097152xf32, #tpu.memory_space<hbm>> -> memref<8192xf32, #tpu.memory_space<hbm>>
      %dma_wait3A_30 = tpu.memref_slice %arg3[%add3A_20] : memref<2097152xf32, #tpu.memory_space<hbm>> -> memref<8192xf32, #tpu.memory_space<hbm>>
      tpu.wait_dma2 semaphore(%arg10 : memref<!tpu.dma_semaphore, #tpu.memory_space<semaphore_mem>>) src(%dma_wait3A_30 : memref<8192xf32, #tpu.memory_space<hbm>>) dst(%arg7 : memref<8192xf32, #tpu.memory_space<vmem>>)
      %mul3A_31 = arith.constant 2 : i32
      %mul3A_32 = arith.muli %mul3A_31, %add3A_20 : i32
      %dma_wait3A_33 = tpu.memref_slice %arg2[%mul3A_32] : memref<4194304xf32, #tpu.memory_space<hbm>> -> memref<16384xf32, #tpu.memory_space<hbm>>
      %dma_wait3A_34 = tpu.memref_slice %arg2[%mul3A_32] : memref<4194304xf32, #tpu.memory_space<hbm>> -> memref<16384xf32, #tpu.memory_space<hbm>>
      tpu.wait_dma2 semaphore(%arg10 : memref<!tpu.dma_semaphore, #tpu.memory_space<semaphore_mem>>) src(%dma_wait3A_34 : memref<16384xf32, #tpu.memory_space<hbm>>) dst(%arg6 : memref<16384xf32, #tpu.memory_space<vmem>>)
      %scan3A_35 = arith.constant 0 : i32
      %scan3A_36 = arith.constant 512 : i32
      %scan3A_37 = arith.addi %scan3A_35, %scan3A_36 : i32
      %scan3A_38 = arith.constant 1 : i32
      %scan3A_39:2 = scf.for %scan3A_41 = %scan3A_35 to %scan3A_37 step %scan3A_38 iter_args(%scan3A_42 = %scan3A_16, %scan3A_43 = %scan3A_17) -> (vector<16xf32>, vector<16xf32>)  : i32 {
        %mul3A_44 = arith.constant 32 : i32
        %mul3A_45 = arith.muli %scan3A_41, %mul3A_44 : i32
        %add3A_46 = vector.broadcast %mul3A_45 : i32 to vector<16xi32>
        %add3A_47 = arith.addi %mul3A_5, %add3A_46 : vector<16xi32>
        %gather3A = tpu.vector_load_idx %arg6[%add3A_47] : memref<16384xf32, #tpu.memory_space<vmem>>[vector<16xi32>], vector<16xf32>,
        %add3A_48 = arith.constant 1 : i32
        %add3A_49 = vector.broadcast %add3A_48 : i32 to vector<16xi32>
        %add3A_50 = arith.addi %add3A_47, %add3A_49 : vector<16xi32>
        %gather3A_51 = tpu.vector_load_idx %arg6[%add3A_50] : memref<16384xf32, #tpu.memory_space<vmem>>[vector<16xi32>], vector<16xf32>,
        %mul3A_52 = arith.constant 16 : i32
        %mul3A_53 = arith.muli %scan3A_41, %mul3A_52 : i32
        %get3A = arith.index_cast %mul3A_53 : i32 to index
        %get3A_54 = tpu.vector_load %arg7[%get3A] {strides = array<i32>} : memref<8192xf32, #tpu.memory_space<vmem>>, vector<16xf32>,
        %mul3A_55 = arith.constant 16 : i32
        %mul3A_56 = arith.muli %scan3A_41, %mul3A_55 : i32
        %get3A_57 = arith.index_cast %mul3A_56 : i32 to index
        %get3A_58 = tpu.vector_load %arg8[%get3A_57] {strides = array<i32>} : memref<8192xf32, #tpu.memory_space<vmem>>, vector<16xf32>,
        %sub3A = arith.subf %gather3A_51, %gather3A : vector<16xf32>
        %abs3A = math.absf %sub3A : vector<16xf32>
        %neg3A = arith.constant 0.000000e+00 : f32
        %neg3A_59 = vector.broadcast %neg3A : f32 to vector<16xf32>
        %neg3A_60 = arith.subf %neg3A_59, %abs3A : vector<16xf32>
        %exp3A = math.exp %neg3A_60 : vector<16xf32>
        %add3A_61 = arith.constant 2.000000e+00 : f32
        %add3A_62 = vector.broadcast %add3A_61 : f32 to vector<16xf32>
        %add3A_63 = arith.addf %exp3A, %add3A_62 : vector<16xf32>
        %div3A = arith.divf %exp3A, %add3A_63 : vector<16xf32>
        %mul3A_64 = arith.mulf %div3A, %div3A : vector<16xf32>
        %mul3A_65 = arith.constant 0.111111112 : f32
        %mul3A_66 = vector.broadcast %mul3A_65 : f32 to vector<16xf32>
        %mul3A_67 = arith.mulf %mul3A_66, %mul3A_64 : vector<16xf32>
        %add3A_68 = arith.constant 0.142857149 : f32
        %add3A_69 = vector.broadcast %add3A_68 : f32 to vector<16xf32>
        %add3A_70 = arith.addf %mul3A_67, %add3A_69 : vector<16xf32>
        %mul3A_71 = arith.mulf %add3A_70, %mul3A_64 : vector<16xf32>
        %add3A_72 = arith.constant 2.000000e-01 : f32
        %add3A_73 = vector.broadcast %add3A_72 : f32 to vector<16xf32>
        %add3A_74 = arith.addf %mul3A_71, %add3A_73 : vector<16xf32>
        %mul3A_75 = arith.mulf %add3A_74, %mul3A_64 : vector<16xf32>
        %add3A_76 = arith.constant 0.333333343 : f32
        %add3A_77 = vector.broadcast %add3A_76 : f32 to vector<16xf32>
        %add3A_78 = arith.addf %mul3A_75, %add3A_77 : vector<16xf32>
        %mul3A_79 = arith.mulf %add3A_78, %mul3A_64 : vector<16xf32>
        %add3A_80 = arith.constant 1.000000e+00 : f32
        %add3A_81 = vector.broadcast %add3A_80 : f32 to vector<16xf32>
        %add3A_82 = arith.addf %mul3A_79, %add3A_81 : vector<16xf32>
        %mul3A_83 = arith.constant 2.000000e+00 : f32
        %mul3A_84 = vector.broadcast %mul3A_83 : f32 to vector<16xf32>
        %mul3A_85 = arith.mulf %mul3A_84, %div3A : vector<16xf32>
        %mul3A_86 = arith.mulf %mul3A_85, %add3A_82 : vector<16xf32>
        %max3A = arith.maximumf %sub3A, %broadcast_in_dim3A_6 : vector<16xf32>
        %add3A_87 = arith.addf %max3A, %mul3A_86 : vector<16xf32>
        %mul3A_88 = arith.mulf %get3A_54, %sub3A : vector<16xf32>
        %sub3A_89 = arith.subf %add3A_87, %mul3A_88 : vector<16xf32>
        %mul3A_90 = arith.mulf %get3A_58, %sub3A_89 : vector<16xf32>
        %add3A_91 = arith.addf %scan3A_42, %mul3A_90 : vector<16xf32>
        %add3A_92 = arith.addf %scan3A_43, %get3A_58 : vector<16xf32>
        scf.yield %add3A_91, %add3A_92 : vector<16xf32>, vector<16xf32>
      }
      %scan3A_40 = arith.constant 512 : i32
      scf.yield %scan3A_39#0, %scan3A_39#1 : vector<16xf32>, vector<16xf32>
    }
    %scan3A_11 = arith.constant 8 : i32
    %swap3A = arith.constant 0 : index
    %swap3A_12 = tpu.vector_load %arg9[%swap3A] {strides = array<i32>} : memref<32xf32, #tpu.memory_space<vmem>>, vector<16xf32>,
    tpu.vector_store %arg9[%swap3A], %scan3A_10#0 {strides = array<i32>} : memref<32xf32, #tpu.memory_space<vmem>>, vector<16xf32>,
    %swap3A_13 = arith.constant 16 : index
    %swap3A_14 = tpu.vector_load %arg9[%swap3A_13] {strides = array<i32>} : memref<32xf32, #tpu.memory_space<vmem>>, vector<16xf32>,
    tpu.vector_store %arg9[%swap3A_13], %scan3A_10#1 {strides = array<i32>} : memref<32xf32, #tpu.memory_space<vmem>>, vector<16xf32>,
    "tpu.region"() ({
      %run_scoped3A = tpu.sem_alloc : memref<!tpu.dma_semaphore, #tpu.memory_space<semaphore_mem>>
      %dma_start3A = arith.constant 0 : i32
      %dma_start3A_15 = tpu.memref_slice %arg5[%add3A, %dma_start3A] : memref<32x32xf32, #tpu.memory_space<hbm>> -> memref<1x32xf32, #tpu.memory_space<hbm>>
      %dma_start3A_16 = tpu.memref_squeeze %dma_start3A_15 : memref<1x32xf32, #tpu.memory_space<hbm>> -> memref<32xf32, #tpu.memory_space<hbm>>
      %dma_start3A_17 = arith.constant 0 : i32
      %dma_start3A_18 = tpu.memref_slice %arg5[%add3A, %dma_start3A_17] : memref<32x32xf32, #tpu.memory_space<hbm>> -> memref<1x32xf32, #tpu.memory_space<hbm>>
      %dma_start3A_19 = tpu.memref_squeeze %dma_start3A_18 : memref<1x32xf32, #tpu.memory_space<hbm>> -> memref<32xf32, #tpu.memory_space<hbm>>
      tpu.enqueue_dma source(%arg9 : memref<32xf32, #tpu.memory_space<vmem>>) target(%dma_start3A_19 : memref<32xf32, #tpu.memory_space<hbm>>) target_semaphore(%run_scoped3A : memref<!tpu.dma_semaphore, #tpu.memory_space<semaphore_mem>>)
      %dma_wait3A = arith.constant 0 : i32
      %dma_wait3A_20 = tpu.memref_slice %arg5[%add3A, %dma_wait3A] : memref<32x32xf32, #tpu.memory_space<hbm>> -> memref<1x32xf32, #tpu.memory_space<hbm>>
      %dma_wait3A_21 = tpu.memref_squeeze %dma_wait3A_20 : memref<1x32xf32, #tpu.memory_space<hbm>> -> memref<32xf32, #tpu.memory_space<hbm>>
      %dma_wait3A_22 = arith.constant 0 : i32
      %dma_wait3A_23 = tpu.memref_slice %arg5[%add3A, %dma_wait3A_22] : memref<32x32xf32, #tpu.memory_space<hbm>> -> memref<1x32xf32, #tpu.memory_space<hbm>>
      %dma_wait3A_24 = tpu.memref_squeeze %dma_wait3A_23 : memref<1x32xf32, #tpu.memory_space<hbm>> -> memref<32xf32, #tpu.memory_space<hbm>>
      tpu.wait_dma2 semaphore(%run_scoped3A : memref<!tpu.dma_semaphore, #tpu.memory_space<semaphore_mem>>) src(%arg9 : memref<32xf32, #tpu.memory_space<vmem>>) dst(%dma_wait3A_24 : memref<32xf32, #tpu.memory_space<hbm>>)
      tpu.yield
    }) : () -> ()
    return
  }
}

</mosaic_0001>

<sc_bundles>
// kernel: kernel.3.cloned.1.call-start
scs
__scs_entry_jumppad:
0x0: {  	(pc) =	sbr.rel $0x88, $3  }
0x1: {  	(tag) =	ssettag $0x0;
	lr =	simm.s32 $0x1  }
0x2: {  	[smem:$0x3F9E] =	sst lr;
	_ =	strace $0xD0000000  }
0x3: {  	_ = 	snop  }
0x4: {  	_ = 	snop  }
0x5: {  	_ = 	snop  }
0x6: {  	_ = 	snop  }
0x7: {  	_ = 	snop  }
__scs_overlays_trampoline_lowered:
0x8: {  	[smem:$0x3FAD] =	sst s0  }
0x9: {  	[smem:$0x3FAE] =	sst s1  }
0xa: {  	[smem:$0x3FAF] =	sst s2  }
0xb: {  	[smem:$0x3FB0] =	sst s3  }
0xc: {  	[smem:$0x3FB1] =	sst s4  }
0xd: {  	[smem:$0x3FB2] =	sst s5  }
0xe: {  	[smem:$0x3FB3] =	sst s6  }
0xf: {  	[smem:$0x3FB4] =	sst s7  }
0x10: {  	[smem:$0x3FB5] =	sst s8  }
0x11: {  	[smem:$0x3FB6] =	sst s9;
	s0 =	simm.s32 @!p0 $0x0  }
0x12: {  	s1 =	sld [smem:$0x3F9C];
	s0 =	simm.s32 @p0 $0x1  }
0x13: {  	[smem:$0x3FB7] =	sst s0;
	s0 =	simm.s32 @!p1 $0x0  }
0x14: {  	s2 =	sld [smem:$0x3F9B];
	s0 =	simm.s32 @p1 $0x1  }
0x15: {  	[smem:$0x3FB8] =	sst s0;
	s0 =	simm.s32 @!p2 $0x0  }
0x16: {  	s3 =	sld [smem:$0x3FDB];
	s0 =	simm.s32 @p2 $0x1  }
0x17: {  	s4 =	simm.s32 $0x1BF5;
	[smem:$0x3FBA] =	sst s0  }
0x18: {  	s0 =	sld [smem:$0x3F9D];
	_ =	swait.ge [sflag:s4], $0x0  }
0x19: {  	s7 =	sld [smem:$0x3F9E]  }
0x1a: {  	s8 =	sadd.s32 $0xFFFFE003, lr  }
0x1b: {  	s9 =	sadd.s32 $0xFFFFFEF7, lr;
	s5 =	simm.s32 $0xFFFFFFFF;
	p2 =	slt.u32 s8, $0xFFFFF086  }
0x1c: {  	p1 =	slt.u32 s9, $0xF7A;
	s5 =	simm.s32 @!p2 $0x0  }
0x1d: {  	s5 =	simm.s32 @p1 $0x1;
	p0 =	seq.s32 s7, s2  }
0x1e: {  	s7 =	smul.u32 @!p0 $0xF7A, s2;
	p2 =	seq.s32 @!p0 s5, $0x0  }
0x1f: {  	s9 =	smul.u32 $0xF7A, s1;
	s8 =	simm.s32 @!p0 $0x1BF5;
	p2 =	por !p2, p0  }
0x20: {  	[sflag:s8] =	ssyncset.s32 @!p0 $0xFFFFF086;
	s6 =	sadd.s32 @!p0 s3, s7;
	s7 =	simm.s32 @!p0 $0x108  }
0x21: {  	s3 =	sadd.s32 s3, s9;
	s6 =	sadd.s32 @!p0 $0x88, s6;
	s7 =	simm.s32 @p2 $0x1082  }
0x22: {  	[simem:s7], [sflag:s8] =	dma.local @!p0 [hbm:s6], $0xF7A  }
0x23: {  	s9 =	sor.u32 $0xD0000000, s2;
	s6 =	simm.s32 $0x108;
	_ =	swait.ge @!p0 [sflag:s8], $0x0  }
0x24: {  	s3 =	sadd.s32 $0x88, s3;
	s6 =	simm.s32 @!p1 $0x1082;
	[sflag:s4] =	ssyncset.s32 $0xFFFFF086  }
0x25: {  	[simem:s6], [sflag:s4] =	dma.local [hbm:s3], $0xF7A  }
0x26: {  	[smem:$0x3F9E] =	sst s1;
	(tag) =	ssettag s2;
	_ =	strace s9  }
0x27: {  	s1 =	sld [smem:$0x3FAE]  }
0x28: {  	s2 =	sld [smem:$0x3FAF]  }
0x29: {  	s4 =	sld [smem:$0x3FB1]  }
0x2a: {  	p0 =	seq.s32 s5, $0x0;
	s5 =	sld [smem:$0x3FB2]  }
0x2b: {  	s6 =	sld [smem:$0x3FB3]  }
0x2c: {  	s7 =	sld [smem:$0x3FB4]  }
0x2d: {  	s3 =	simm.s32 $0x108;
	s8 =	sld [smem:$0x3FB5]  }
0x2e: {  	s3 =	simm.s32 @!p0 $0x1082;
	s9 =	sld [smem:$0x3FB6]  }
0x2f: {  	lr =	sadd.s32 s0, s3;
	s0 =	sld [smem:$0x3FAD]  }
0x30: {  	s3 =	sld [smem:$0x3FB0]  }
0x31: {  	[smem:$0x3FB9] =	sst s10  }
0x32: {  	s10 =	sld [smem:$0x3FB7];
	_ =	sdelay $0x3  }
0x33: {  	p0 =	seq.s32 s10, $0x1;
	s10 =	sld [smem:$0x3FB9];
	_ =	sdelay $0x3  }
0x34: {  	[smem:$0x3FB9] =	sst s10  }
0x35: {  	s10 =	sld [smem:$0x3FB8];
	_ =	sdelay $0x3  }
0x36: {  	p1 =	seq.s32 s10, $0x1;
	s10 =	sld [smem:$0x3FB9];
	_ =	sdelay $0x3  }
0x37: {  	[smem:$0x3FB9] =	sst s10  }
0x38: {  	s10 =	sld [smem:$0x3FBA]  }
0x39: {  	_ = 	snop;
	(pc) =	sbr.ind lr, $3  }
0x3a: {  	_ = 	snop  }
0x3b: {  	_ = 	snop  }
0x3c: {  	p2 =	seq.s32 s10, $0x1;
	s10 =	sld [smem:$0x3FB9]  }
0x3d: {  	_ =	shalt  }
0x3e: {  	_ =	shalt  }
0x3f: {  	_ =	shalt  }
0x40: {  	_ =	shalt  }
0x41: {  	_ =	shalt  }
0x42: {  	_ =	shalt  }
0x43: {  	_ =	shalt  }
0x44: {  	_ =	shalt  }
0x45: {  	_ =	shalt  }
0x46: {  	_ =	shalt  }
0x47: {  	_ =	shalt  }
0x48: {  	_ =	shalt  }
0x49: {  	_ =	shalt  }
0x4a: {  	_ =	shalt  }
0x4b: {  	_ =	shalt  }
0x4c: {  	_ =	shalt  }
0x4d: {  	_ =	shalt  }
0x4e: {  	_ =	shalt  }
0x4f: {  	_ =	shalt  }
0x50: {  	_ =	shalt  }
0x51: {  	_ =	shalt  }
0x52: {  	_ =	shalt  }
0x53: {  	_ =	shalt  }
0x54: {  	_ =	shalt  }
0x55: {  	_ =	shalt  }
0x56: {  	_ =	shalt  }
0x57: {  	_ =	shalt  }
0x58: {  	_ =	shalt  }
0x59: {  	_ =	shalt  }
0x5a: {  	_ =	shalt  }
0x5b: {  	_ =	shalt  }
0x5c: {  	_ =	shalt  }
0x5d: {  	_ =	shalt  }
0x5e: {  	_ =	shalt  }
0x5f: {  	_ =	shalt  }
0x60: {  	_ =	shalt  }
0x61: {  	_ =	shalt  }
0x62: {  	_ =	shalt  }
0x63: {  	_ =	shalt  }
0x64: {  	_ =	shalt  }
0x65: {  	_ =	shalt  }
0x66: {  	_ =	shalt  }
0x67: {  	_ =	shalt  }
0x68: {  	_ =	shalt  }
0x69: {  	_ =	shalt  }
0x6a: {  	_ =	shalt  }
0x6b: {  	_ =	shalt  }
0x6c: {  	_ =	shalt  }
0x6d: {  	_ =	shalt  }
0x6e: {  	_ =	shalt  }
0x6f: {  	_ =	shalt  }
0x70: {  	_ =	shalt  }
0x71: {  	_ =	shalt  }
0x72: {  	_ =	shalt  }
0x73: {  	_ =	shalt  }
0x74: {  	_ =	shalt  }
0x75: {  	_ =	shalt  }
0x76: {  	_ =	shalt  }
0x77: {  	_ =	shalt  }
0x78: {  	_ =	shalt  }
0x79: {  	_ =	shalt  }
0x7a: {  	_ =	shalt  }
0x7b: {  	_ =	shalt  }
0x7c: {  	_ =	shalt  }
0x7d: {  	_ =	shalt  }
0x7e: {  	_ =	shalt  }
0x7f: {  	_ =	shalt  }
0x80: {  	_ =	shalt  }
0x81: {  	_ =	shalt  }
0x82: {  	_ =	shalt  }
0x83: {  	_ =	shalt  }
0x84: {  	_ =	shalt  }
0x85: {  	_ =	shalt  }
0x86: {  	_ =	shalt  }
0x87: {  	_ =	shalt  }
.Lfunc_end0:
.L_simem_size_0:
called_computation_lowered:
.L_overlay_start_0:
0x88: {  	s2 =	sld [smem:$0x3FD9]  }
0x89: {  	s3 =	sld [smem:$0x3FFE];
	_ =	sdelay $0x1  }
0x8a: {  	s1 =	srdreg.scid  }
0x8b: {  	s0 =	sand.u32 $0x1, s1  }
0x8c: {  	s17 =	sshll.u32 s0, $0xA;
	s2 =	sadd.s32 s3, s2  }
0x8d: {  	s2 =	sadd.s32 s2, s17  }
0x8e: {  	[smem:$0x3FC5] =	sst s2  }
0x8f: {  	_ = 	snop  }
0x90: {  	s2 =	sld [smem:$0x3FC8];
	(tm) =	ssettm $0x1  }
0x91: {  	s18 =	sld [smem:$0x3FFB];
	_ =	sdelay $0x3  }
0x92: {  	_ =	strace s18  }
0x93: {  	s3 =	sld [smem:$0x3FFC];
	_ =	sdelay $0x3  }
0x94: {  	_ =	strace s3  }
0x95: {  	s3 =	sld [smem:$0x3FFD];
	_ =	sdelay $0x3  }
0x96: {  	_ =	strace s3  }
0x97: {  	_ =	strace $0x8FFFFFFF  }
0x98: {  	s19 =	sld [smem:$0x3FDB];
	_ =	sdelay $0x1  }
0x99: {  	s4 =	simm.s32 $_scs_section_size  }
0x9a: {  	s5 =	simm.s32 $_size__tile_overlayer_lowered;
	s6 =	simm.s32 $_tile_overlayer_lowered  }
0x9b: {  	s22 =	simm.s32 $0x1BFF;
	s21 =	sshll.u32 s6, $0x1;
	s3 =	sadd.s32 s4, s19  }
0x9c: {  	s7 =	simm.s32 $0x0;
	s20 =	sshll.u32 s5, $0x1;
	s5 =	sadd.s32 s21, s3  }
0x9d: {  	[timem:s7], [sflag:s22] =	dma.local [hbm:s5], s20  }
0x9e: {  	_ =	swait.ge [sflag:s22], s20  }
0x9f: {  	s4 =	ssub.s32 $0x0, s20;
	[sflag:s22] =	ssyncset.done $0x0  }
0xa0: {  	[sflag:s22] =	ssyncadd.s32 s4;
	_ =	sdelay $0x1  }
0xa1: {  	s23 =	simm.s32 $0x1B8B  }
0xa2: {  	_ =	swait.ge [sflag:s23], $0x1  }
0xa3: {  	[sflag:s23] =	ssyncset.done $0x0  }
0xa4: {  	s25 =	simm.s32 $0x1B8E;
	s24 =	sld [smem:$0x3FFE];
	[sflag:s23] =	ssyncadd.s32 $0xFFFFFFFF  }
0xa5: {  	s26 =	simm.s32 $execute0_lowered;
	[smem:$0x3FD2] =	sst s25  }
0xa6: {  	s5 =	sshll.u32 s26, $0x1;
	_ =	strace $0x80000046;
	[dreg:$0x1] =	wrdreg $0xFFFFFFFF  }
0xa7: {  	s28 =	simm.s32 $_size_execute0_lowered;
	s3 =	sadd.s32 s3, s5;
	[dreg:$0x0] =	wrdreg $0x0  }
0xa8: {  	s5 =	sshll.u32 s28, $0x1;
	[dreg:$0x2] =	wrdreg s3  }
0xa9: {  	[dreg:$0x3] =	wrdreg s5  }
0xaa: {  	[dreg:$0x4] =	wrdreg $0xC0  }
0xab: {  	_ =	task [dreg:s7], $0x5FFFF  }
0xac: {  	[dreg:$0x1] =	wrdreg $0xFFFFFFFF  }
0xad: {  	[dreg:$0x0] =	wrdreg $0x60  }
0xae: {  	[dreg:$0x2] =	wrdreg s24  }
0xaf: {  	[dreg:$0x3] =	wrdreg s2  }
0xb0: {  	[dreg:$0x4] =	wrdreg $0x9  }
0xb1: {  	_ =	task.clear_ibuf [dreg:s7], $0x5FFFF;
	_ =	strace $0x90000046  }
0xb2: {  	s29 =	simm.s32 $0x9;
	_ =	strace $0x80000048  }
0xb3: {  	_ =	swait.ge [sflag:s29], $0x1  }
0xb4: {  	[sflag:s29] =	ssyncadd.s32 $0xFFFFFFFF  }
0xb5: {  	_ =	strace $0x90000048  }
0xb6: {  	_ =	sfence  }
0xb7: {  	s30 =	sld [smem:$0x0];
	_ =	sdelay $0x2  }
0xb8: {  	s31 =	sshll.u32 s1, $0xD;
	s1 =	sshrl.u32 s1, $0x2  }
0xb9: {  	s3 =	sand.u32 $0x4000, s31;
	s1 =	sadd.s32 s1, s30  }
0xba: {  	s0 =	sor.u32 s3, s0;
	s1 =	sshll.u32 s1, $0x11  }
0xbb: {  	s0 =	sor.u32 s1, s0  }
0xbc: {  	s0 =	sadd.s32 $0x8F2B, s0  }
0xbd: {  	[sflag:s0] =	ssyncadd.remote.s32 $0x1  }
0xbe: {  	_ =	sfence.sel $0xFFFF  }
0xbf: {  	[dreg:$0x0] =	wrdreg $0xFFFFFFFF;
	(pc) =	sbr.abs _section_cstart, $3  }
0xc0: {  	[dreg:$0x1] =	wrdreg $0xFFFFFFFF  }
0xc1: {  	_ =	task.clear_ibuf [dreg:s7], $0x2FFFF;
	_ =	strace $0x9FFFFFFF  }
0xc2: {  	(tm) =	ssettm $0x7FFFFFFF  }
0xc3: {  	_ =	shalt  }
tec
execute0_lowered:
.L_overlay_start_1:
0x0: {  	(tag) =	ssettag $0x1  }
0x1: {  	s1 =	rddreg [dreg:$0x0]  }
0x2: {  	s3 =	rddreg [dreg:$0x1]  }
0x3: {  	s0 =	rddreg [dreg:$0x2]  }
0x4: {  	s4 =	simm.s32 $0x0;
	s5 =	srdreg.scid;
	s2 =	stileid.u32  }
0x5: {  	s10 =	simm.s32 $0x8000;
	s11 =	simm.s32 $0x2;
	s12 =	simm.s32 $0x0  }
0x6: {  	[smem:$0x7FF] =	sst s4;
	s5 =	sand.u32 $0x1, s5;
	s6 =	sshll.u32 s2, $0x1  }
0x7: {  	v0 =	vlaneseq.u32;
	_ =	strace $0x80000047;
	s6 =	sor.u32 s5, s6;
	s7 =	ssub.s32 $0x2, s5  }
0x8: {  	v0 =	vmul.u32 $0x2, v0;
	s5 =	sadd.s32 $0x2000000, s1;
	s8 =	sshll.u32 s6, $0x4;
	s9 =	sshrl.u32 s7, $0x1  }
0x9: {  	s6 =	sshll.u32 s6, $0x10;
	s8 =	sadd.s32 s8, s1;
	s9 =	ssub.s32 s7, s9  }
0xa: {  	v1 =	vor.u32 $0x1, v0;
	s7 =	sadd.s32 $0x40000, s8;
	s8 =	smax.u32 s9, $0x1;
	s9 =	simm.s32 $0x1  }
.LBB2_1:
0xb: {  	v2 =	vimm.f32 $0.0e+00;
	v3 =	vimm.f32 $0.0e+00;
	s13 =	simm.s32 $0x0  }
.LBB2_2:
0xc: {  	s14 =	sshll.u32 s13, $0xD  }
0xd: {  	s14 =	sadd.s32 s6, s14  }
0xe: {  	s15 =	sshrl.u32 s14, $0x2  }
0xf: {  	s16 =	simm.s32 $0x0;
	s14 =	sshrl.u32 s14, $0x3;
	s15 =	sadd.s32 s5, s15  }
0x10: {  	[tilespmem:s16], [sflag:$0x1] =	stream.linear.gather [hbm4b:s15+s16], $0x4000, $0x38;
	[tilespmem:$0x8080] =	vst v63  }
0x11: {  	s17 =	sadd.s32 s3, s14;
	s15 =	simm.s32 $0x4000  }
0x12: {  	[tilespmem:s15], [sflag:$0x1] =	stream.linear.gather [hbm4b:s17+s16], $0x2000, $0x38;
	[tilespmem:$0x8080] =	vst v63  }
0x13: {  	s24 =	sadd.s32 s1, s14;
	s14 =	simm.s32 $0x6000  }
0x14: {  	[tilespmem:s14], [sflag:$0x1] =	stream.linear.gather [hbm4b:s24+s16], $0x2000, $0x38;
	[tilespmem:$0x8080] =	vst v63  }
0x15: {  	_ =	swait.ge [sflag:s9], $0x2000  }
0x16: {  	[sflag:s9] =	ssyncset.done $0x0  }
0x17: {  	[sflag:s9] =	ssyncadd.s32 $0xFFFFE000  }
0x18: {  	_ =	swait.ge [sflag:s9], $0x2000  }
0x19: {  	v4 =	vor.u32 s16, v0;
	[sflag:s9] =	ssyncset.done $0x0  }
0x1a: {  	v5 =	vor.u32 s16, v1;
	[sflag:s9] =	ssyncadd.s32 $0xFFFFE000  }
0x1b: {  	_ =	swait.ge [sflag:s9], $0x4000  }
0x1c: {  	[sflag:s9] =	ssyncset.done $0x0  }
0x1d: {  	[sflag:s9] =	ssyncadd.s32 $0xFFFFC000  }
0x1e: {  	v4 =	vld.idx.msk [tilespmem:v4+s4+$0x0], $0xffff  }
0x1f: {  	v5 =	vld.idx.msk [tilespmem:v5+s4+$0x0], $0xffff;
	_ =	sdelay $0x2  }
0x20: {  	s25 =	simm.s32 $0x20  }
0x21: {  	v6 =	vor.u32 s25, v0  }
0x22: {  	v7 =	vor.u32 s25, v1;
	v9 =	vsub.f32 v5, v4;
	_ =	sdelay $0x1  }
0x23: {  	v4 =	vand.u32 $0x7FFFFFFF, v9  }
0x24: {  	v4 =	vsub.f32 $0.0e+00, v4  }
0x25: {  	v5 =	vld.idx.msk [tilespmem:v6+s4+$0x0], $0xffff  }
0x26: {  	v6 =	vld.idx.msk [tilespmem:v7+s4+$0x0], $0xffff;
	v4 =	vmul.f32 $1.442695020e+00, v4;
	_ =	sdelay $0x1  }
0x27: {  	(erf) = vpow2.f32 v4;
	_ =	sdelay $0x1  }
0x28: {  	s26 =	simm.s32 $0x40  }
0x29: {  	v8 =	vor.u32 s26, v1;
	v7 =	vsub.f32 v6, v5  }
0x2a: {  	v4 =	vor.u32 s26, v0  }
0x2b: {  	v5 =	vand.u32 $0x7FFFFFFF, v7  }
0x2c: {  	v5 =	vsub.f32 $0.0e+00, v5;
	_ =	sdelay $0x1  }
0x2d: {  	v6 =	vld.idx.msk [tilespmem:v8+s4+$0x0], $0xffff;
	v5 =	vmul.f32 $1.442695020e+00, v5  }
0x2e: {  	v4 =	vld.idx.msk [tilespmem:v4+s4+$0x0], $0xffff;
	v8 =	vpop (erf)  }
0x2f: {  	(erf) = vpow2.f32 v5;
	v5 =	vadd.f32 $2.000000000e+00, v8  }
0x30: {  	s28 =	simm.s32 $0x60  }
0x31: {  	v10 =	vor.u32 s28, v0;
	(erf) = vrcp.f32 v5  }
0x32: {  	v11 =	vor.u32 s28, v1  }
0x33: {  	v6 =	vsub.f32 v6, v4;
	_ =	sdelay $0x1  }
0x34: {  	v4 =	vand.u32 $0x7FFFFFFF, v6  }
0x35: {  	v5 =	vld.idx.msk [tilespmem:v10+s4+$0x0], $0xffff;
	v4 =	vsub.f32 $0.0e+00, v4  }
0x36: {  	v10 =	vld.idx.msk [tilespmem:v11+s4+$0x0], $0xffff  }
0x37: {  	v4 =	vmul.f32 $1.442695020e+00, v4  }
0x38: {  	s29 =	simm.s32 $0x80;
	v11 =	vpop (erf)  }
0x39: {  	v14 =	vor.u32 s29, v1;
	(erf) = vpow2.f32 v4;
	v13 =	vadd.f32 $2.000000000e+00, v11;
	v15 =	vpop (erf)  }
0x3a: {  	v12 =	vor.u32 s29, v0;
	v8 =	vmul.f32 v15, v8  }
0x3b: {  	v4 =	vsub.f32 v10, v5;
	(erf) = vrcp.f32 v13  }
0x3c: {  	v10 =	vmul.f32 v8, v8  }
0x3d: {  	v5 =	vand.u32 $0x7FFFFFFF, v4  }
0x3e: {  	v5 =	vsub.f32 $0.0e+00, v5;
	v13 =	vld.idx.msk [tilespmem:v14+s4+$0x0], $0xffff;
	v14 =	vmul.f32 $1.111111120e-01, v10  }
0x3f: {  	s30 =	simm.s32 $0xA0;
	v12 =	vld.idx.msk [tilespmem:v12+s4+$0x0], $0xffff  }
0x40: {  	v18 =	vor.u32 s30, v1;
	v5 =	vmul.f32 $1.442695020e+00, v5;
	v14 =	vadd.f32 $1.428571490e-01, v14  }
0x41: {  	v15 =	vor.u32 s30, v0  }
0x42: {  	v17 =	vpop (erf);
	(erf) = vpow2.f32 v5;
	v14 =	vmul.f32 v14, v10  }
0x43: {  	v16 =	vadd.f32 $2.000000000e+00, v17  }
0x44: {  	v5 =	vsub.f32 v13, v12;
	v19 =	vpop (erf);
	v12 =	vadd.f32 $2.000000030e-01, v14  }
0x45: {  	v18 =	vld.idx.msk [tilespmem:v18+s4+$0x0], $0xffff;
	(erf) = vrcp.f32 v16;
	v11 =	vmul.f32 v19, v11  }
0x46: {  	v15 =	vld.idx.msk [tilespmem:v15+s4+$0x0], $0xffff;
	v14 =	vand.u32 $0x7FFFFFFF, v5;
	v12 =	vmul.f32 v12, v10  }
0x47: {  	v13 =	vmul.f32 v11, v11;
	v14 =	vsub.f32 $0.0e+00, v14  }
0x48: {  	v12 =	vadd.f32 $3.333333430e-01, v12  }
0x49: {  	v16 =	vmul.f32 $1.111111120e-01, v13  }
0x4a: {  	v20 =	vadd.f32 v8, v8;
	v19 =	vmul.f32 $1.442695020e+00, v14;
	v12 =	vmul.f32 v12, v10  }
0x4b: {  	s31 =	simm.s32 $0xC0;
	v8 =	vsub.f32 v18, v15;
	v15 =	vld [tilespmem:s15+$0x0];
	v14 =	vpop (erf);
	v16 =	vadd.f32 $1.428571490e-01, v16  }
0x4c: {  	(erf) = vpow2.f32 v19;
	v10 =	vor.u32 s31, v0;
	v19 =	vadd.f32 $2.000000000e+00, v14  }
0x4d: {  	v21 =	vmul.f32 v16, v13;
	v16 =	vor.u32 s31, v1;
	v22 =	vadd.f32 $1.000000000e+00, v12  }
0x4e: {  	v12 =	vpop (erf);
	(erf) = vrcp.f32 v19  }
0x4f: {  	s16 =	simm.s32 $0xE0;
	v18 =	vadd.f32 $2.000000030e-01, v21;
	v12 =	vmul.f32 v12, v17;
	v17 =	vmul.f32 v22, v20  }
.LBB2_3:
0x50: {  	p0 =	sne.s32 s16, $0x3FE0;
	v19 =	vand.u32 $0x7FFFFFFF, v8;
	v20 =	vld [tilespmem:s14+$0x0];
	v21 =	vmax.f32 v9, $0.0e+00;
	v15 =	vmul.f32 v9, v15;
	v9 =	vmovc v7;
	v7 =	vmovc v6  }
0x51: {  	v22 =	vld.idx.msk [tilespmem:v10+s4+$0x0], $0xffff;
	v23 =	vmul.f32 v12, v12;
	v10 =	vmul.f32 v18, v13;
	v17 =	vadd.f32 v17, v21  }
0x52: {  	v6 =	vmovc v4;
	v4 =	vmov v5;
	v5 =	vmov v8;
	v19 =	vsub.f32 $0.0e+00, v19;
	v18 =	vld.idx.msk [tilespmem:v16+s4+$0x0], $0xffff  }
0x53: {  	v8 =	vmul.f32 $1.111111120e-01, v23;
	v21 =	vadd.f32 $3.333333430e-01, v10;
	v17 =	vsub.f32 v17, v15  }
0x54: {  	s15 =	sadd.s32 $0x10, s15;
	v16 =	vor.u32 s16, v1;
	v10 =	vor.u32 s16, v0;
	v19 =	vmul.f32 $1.442695020e+00, v19  }
.Ltmp0:
0x55: {  	v24 =	vpop (erf);
	v8 =	vadd.f32 $1.428571490e-01, v8;
	v15 =	vld [tilespmem:s15+$0x0];
	v21 =	vmul.f32 v21, v13;
	v17 =	vmul.f32 v17, v20;
	(pc) =	sbr.rel @p0 .LBB2_3-.Ltmp0, $4  }
0x56: {  	v25 =	vadd.f32 v11, v11;
	v11 =	vmovc v12;
	v13 =	vmovc v23;
	(erf) = vpow2.f32 v19;
	v19 =	vadd.f32 $2.000000000e+00, v24  }
0x57: {  	v12 =	vpop (erf);
	v23 =	vmul.f32 v8, v13;
	v21 =	vadd.f32 $1.000000000e+00, v21;
	v3 =	vadd.f32 v17, v3  }
0x58: {  	v2 =	vadd.f32 v20, v2;
	v8 =	vsub.f32 v18, v22;
	(erf) = vrcp.f32 v19  }
0x59: {  	s14 =	sadd.s32 $0x10, s14;
	s16 =	sadd.s32 $0x20, s16;
	v12 =	vmul.f32 v12, v14;
	v14 =	vmovc v24;
	v18 =	vadd.f32 $2.000000030e-01, v23;
	v17 =	vmul.f32 v21, v25  }
0x5a: {  	_ =	sdelay $0x3  }
0x5b: {  	v10 =	vld.idx.msk [tilespmem:v10+s4+$0x0], $0xffff  }
0x5c: {  	v16 =	vld.idx.msk [tilespmem:v16+s4+$0x0], $0xffff;
	_ =	sdelay $0x4  }
0x5d: {  	v19 =	vand.u32 $0x7FFFFFFF, v8;
	v10 =	vsub.f32 v16, v10  }
0x5e: {  	v45 =	vsub.f32 $0.0e+00, v19  }
0x5f: {  	v46 =	vand.u32 $0x7FFFFFFF, v10  }
0x60: {  	v16 =	vmul.f32 $1.442695020e+00, v45;
	v20 =	vpop (erf);
	v19 =	vsub.f32 $0.0e+00, v46  }
0x61: {  	v21 =	vadd.f32 $2.000000000e+00, v20  }
0x62: {  	(erf) = vpow2.f32 v16;
	v47 =	vmul.f32 $1.442695020e+00, v19  }
0x63: {  	(erf) = vrcp.f32 v21  }
0x64: {  	(erf) = vpow2.f32 v47;
	_ =	sdelay $0x5  }
0x65: {  	v49 =	vmul.f32 v12, v12;
	v48 =	vpop (erf)  }
0x66: {  	v18 =	vmul.f32 v18, v13;
	v50 =	vpop (erf)  }
0x67: {  	v23 =	vmul.f32 $1.111111120e-01, v49;
	v24 =	vadd.f32 $2.000000000e+00, v50;
	v25 =	vpop (erf)  }
0x68: {  	v22 =	vmax.f32 v9, $0.0e+00;
	v18 =	vadd.f32 $3.333333430e-01, v18;
	v53 =	vpop (erf)  }
0x69: {  	v52 =	vld [tilespmem:s14+$0x0];
	v23 =	vadd.f32 $1.428571490e-01, v23;
	(erf) = vrcp.f32 v24;
	v54 =	vadd.f32 $2.000000000e+00, v53  }
0x6a: {  	v51 =	vmul.f32 v9, v15;
	v17 =	vadd.f32 v17, v22;
	v55 =	vmul.f32 v18, v13  }
0x6b: {  	s15 =	sadd.s32 $0x10, s15;
	v57 =	vmul.f32 v23, v49;
	(erf) = vrcp.f32 v54  }
0x6c: {  	v11 =	vadd.f32 v11, v11;
	v56 =	vld [tilespmem:s15+$0x0];
	v9 =	vsub.f32 v17, v51;
	v14 =	vmul.f32 v48, v14  }
0x6d: {  	v13 =	vadd.f32 $1.000000000e+00, v55;
	v16 =	vadd.f32 $2.000000030e-01, v57  }
0x6e: {  	v61 =	vmax.f32 v7, $0.0e+00;
	v9 =	vmul.f32 v9, v52;
	v58 =	vmul.f32 v14, v14  }
0x6f: {  	v38 =	vmax.f32 v6, $0.0e+00;
	v11 =	vmul.f32 v13, v11;
	v16 =	vmul.f32 v16, v49  }
0x70: {  	s31 =	sadd.s32 $0x10, s14;
	v36 =	vadd.f32 v12, v12;
	v59 =	vmul.f32 $1.111111120e-01, v58;
	v63 =	vmul.f32 v25, v20  }
0x71: {  	v60 =	vld [tilespmem:s31+$0x0];
	v2 =	vadd.f32 v52, v2;
	v62 =	vmul.f32 v7, v56;
	v28 =	vadd.f32 $3.333333430e-01, v16  }
0x72: {  	v11 =	vadd.f32 v11, v61;
	v13 =	vadd.f32 $1.428571490e-01, v59;
	v30 =	vmul.f32 v63, v63;
	v31 =	vpop (erf)  }
0x73: {  	v3 =	vadd.f32 v9, v3;
	v9 =	vmul.f32 v28, v49;
	v32 =	vmul.f32 v31, v50  }
0x74: {  	s15 =	sadd.s32 $0x10, s15;
	v7 =	vsub.f32 v11, v62;
	v29 =	vmul.f32 v13, v58;
	v33 =	vmul.f32 $1.111111120e-01, v30;
	v34 =	vpop (erf)  }
0x75: {  	v35 =	vld [tilespmem:s15+$0x0];
	v52 =	vmax.f32 v5, $0.0e+00;
	v21 =	vmul.f32 v32, v32;
	v19 =	vmul.f32 v34, v53  }
0x76: {  	v7 =	vmul.f32 v7, v60;
	v11 =	vadd.f32 $2.000000030e-01, v29;
	v16 =	vadd.f32 $1.428571490e-01, v33  }
0x77: {  	v2 =	vadd.f32 v60, v2;
	v37 =	vmul.f32 $1.111111120e-01, v21;
	v22 =	vmul.f32 v19, v19  }
0x78: {  	v9 =	vadd.f32 $1.000000000e+00, v9;
	v11 =	vmul.f32 v11, v58;
	v16 =	vmul.f32 v16, v30  }
0x79: {  	s14 =	sadd.s32 $0x10, s31;
	v3 =	vadd.f32 v7, v3;
	v7 =	vadd.f32 $1.428571490e-01, v37;
	v40 =	vmul.f32 $1.111111120e-01, v22  }
0x7a: {  	v39 =	vld [tilespmem:s14+$0x0];
	v41 =	vmul.f32 v6, v35;
	v11 =	vadd.f32 $3.333333430e-01, v11;
	v42 =	vadd.f32 $2.000000030e-01, v16  }
0x7b: {  	v9 =	vmul.f32 v9, v36;
	v7 =	vmul.f32 v7, v21;
	v43 =	vadd.f32 $1.428571490e-01, v40  }
0x7c: {  	s15 =	sadd.s32 $0x10, s15;
	v44 =	vadd.f32 v14, v14;
	v11 =	vmul.f32 v11, v58;
	v12 =	vmul.f32 v42, v30  }
0x7d: {  	v45 =	vld [tilespmem:s15+$0x0];
	s15 =	sadd.s32 $0x10, s15;
	v9 =	vadd.f32 v9, v38;
	v7 =	vadd.f32 $2.000000030e-01, v7;
	v16 =	vmul.f32 v43, v22  }
0x7e: {  	v48 =	vmax.f32 v4, $0.0e+00;
	v49 =	vld [tilespmem:s15+$0x0];
	v11 =	vadd.f32 $1.000000000e+00, v11;
	v12 =	vadd.f32 $3.333333430e-01, v12  }
0x7f: {  	v2 =	vadd.f32 v39, v2;
	v7 =	vmul.f32 v7, v21;
	v46 =	vadd.f32 $2.000000030e-01, v16  }
0x80: {  	s14 =	sadd.s32 $0x10, s14;
	v6 =	vsub.f32 v9, v41;
	v9 =	vmul.f32 v11, v44;
	v12 =	vmul.f32 v12, v30  }
0x81: {  	v47 =	vld [tilespmem:s14+$0x0];
	v50 =	vadd.f32 v63, v63;
	v7 =	vadd.f32 $3.333333430e-01, v7;
	v11 =	vmul.f32 v46, v22  }
0x82: {  	v4 =	vmul.f32 v4, v45;
	v9 =	vadd.f32 v9, v48;
	v12 =	vadd.f32 $1.000000000e+00, v12  }
0x83: {  	s15 =	sadd.s32 $0x10, s15;
	v5 =	vmul.f32 v5, v49;
	v7 =	vmul.f32 v7, v21;
	v11 =	vadd.f32 $3.333333430e-01, v11  }
0x84: {  	v6 =	vmul.f32 v6, v39;
	v4 =	vsub.f32 v9, v4;
	v53 =	vld [tilespmem:s15+$0x0];
	s15 =	sadd.s32 $0x10, s15;
	v51 =	vmul.f32 v12, v50  }
0x85: {  	s14 =	sadd.s32 $0x10, s14;
	v15 =	vadd.f32 v32, v32;
	v55 =	vld [tilespmem:s15+$0x0];
	v7 =	vadd.f32 $1.000000000e+00, v7;
	v11 =	vmul.f32 v11, v22  }
0x86: {  	v54 =	vld [tilespmem:s14+$0x0];
	v3 =	vadd.f32 v6, v3;
	v4 =	vmul.f32 v4, v47;
	v9 =	vadd.f32 v51, v52  }
0x87: {  	s14 =	sadd.s32 $0x10, s14;
	v56 =	vadd.f32 v19, v19;
	v7 =	vmul.f32 v7, v15;
	v11 =	vadd.f32 $1.000000000e+00, v11  }
0x88: {  	v57 =	vmax.f32 v8, $0.0e+00;
	v3 =	vadd.f32 v4, v3;
	v4 =	vsub.f32 v9, v5;
	v5 =	vld [tilespmem:s14+$0x0]  }
0x89: {  	v58 =	vmul.f32 v8, v53;
	s14 =	sadd.s32 $0x10, s14;
	v7 =	vadd.f32 v7, v57;
	v59 =	vmul.f32 v11, v56  }
0x8a: {  	v61 =	vmax.f32 v10, $0.0e+00;
	v2 =	vadd.f32 v47, v2;
	v62 =	vmul.f32 v10, v55;
	v60 =	vld [tilespmem:s14+$0x0]  }
0x8b: {  	s13 =	sadd.s32 $0x1, s13;
	v4 =	vmul.f32 v4, v54;
	v7 =	vsub.f32 v7, v58;
	v9 =	vadd.f32 v59, v61  }
0x8c: {  	p0 =	sne.s32 s13, $0x8;
	v2 =	vadd.f32 v54, v2  }
.Ltmp1:
0x8d: {  	v3 =	vadd.f32 v4, v3;
	v4 =	vmul.f32 v7, v5;
	v63 =	vsub.f32 v9, v62;
	(pc) =	sbr.rel @p0 .LBB2_2-.Ltmp1, $3  }
0x8e: {  	_ = 	snop  }
0x8f: {  	v2 =	vadd.f32 v5, v2;
	v3 =	vadd.f32 v4, v3;
	v4 =	vmul.f32 v63, v60;
	_ =	sdelay $0x1  }
0x90: {  	v2 =	vadd.f32 v60, v2;
	v3 =	vadd.f32 v4, v3  }
0x91: {  	s12 =	sadd.s32 $0x1, s12  }
0x92: {  	[tilespmem:$0x8000] =	vst v3;
	p0 =	sne.s32 s12, s8  }
.Ltmp2:
0x93: {  	[tilespmem:$0x8010] =	vst v2;
	(pc) =	sbr.rel @p0 .LBB2_1-.Ltmp2, $4  }
0x94: {  	[hbm4b:s7+s4] =	stream.linear.scatter [tilespmem:s10], [sflag:$0x2], $0x80, $0x38;
	[tilespmem:$0x8080] =	vst v63  }
0x95: {  	_ =	swait.ge [sflag:s11], $0x80  }
0x96: {  	[sflag:s11] =	ssyncset.done $0x0  }
0x97: {  	[sflag:s11] =	ssyncadd.s32 $0xFFFFFF80  }
0x98: {  	_ =	sfence.sel $0x180000  }
0x99: {  	[bflag:$0x0] =	sbarrier.arrive $0xFFFF  }
0x9a: {  	p0 =	sne.s32 s2, $0x0;
	_ =	strace $0x90000047  }
0x9b: {  	s0 =	sadd.s32 @!p0 $0x100000, s0;
	[bflag:$0x2] =	sbarrier.arrive $0xFFFF  }
0x9c: {  	[sflag:s0] =	ssyncadd.tile.s32 @!p0 $0x1;
	_ =	shalt  }
.Lfunc_end2:
_tile_overlayer_lowered:
.L_overlay_start_2:
0x9d: {  	(tag) =	ssettag $0x2  }
0x9e: {  	s0 =	rddreg [dreg:$0x0];
	s2 =	stileid.u32  }
0x9f: {  	s1 =	rddreg [dreg:$0x1];
	p0 =	sne.s32 s2, $0x0  }
0xa0: {  	s3 =	rddreg [dreg:$0x2];
	[bflag:$0x3] =	sbarrier.arrive $0xFFFF;
	s2 =	simm.s32 @!p0 $0x1C02  }
0xa1: {  	[timem:s3], [sflag:s2] =	dma.local @!p0 [hbm:s0], s1  }
0xa2: {  	s0 =	simm.s32 @!p0 $0x2  }
0xa3: {  	_ =	swait.ge @!p0 [sflag:s0], s1  }
0xa4: {  	s1 =	ssub.s32 @!p0 $0x0, s1;
	[sflag:s0] =	ssyncset.done @!p0 $0x0  }
0xa5: {  	[sflag:s0] =	ssyncadd.s32 @!p0 s1  }
0xa6: {  	[bflag:$0x3] =	sbarrier.arrive $0xFFFF  }
0xa7: {  	_ =	shalt  }

</sc_bundles>
